<compile_context>
chip_gen: v7x
topology: tpu7x:2x2x1
jax: 0.10.2.dev20260603
libtpu: 0.0.44.dev20260713+nightly
codegen_flags: <defaults>
</compile_context>

<pallas_src>
import jax
import jax.numpy as jnp
from jax import lax
from jax.experimental import pallas as pl
from jax.experimental.pallas import tpu as pltpu
from jax.experimental.pallas import tpu_sc as plsc

VOCAB = 1000000
DIM = 64
B = 4096
X_MAX = 100.0
ALPHA = 0.75

NC = 2
NS = 16
NW = NC * NS
BPW = B // NW

_MESH = plsc.VectorSubcoreMesh(core_axis_name="c", subcore_axis_name="s")


def _sc_gather_body(idx_hbm, tab_hbm, bias_hbm, rows_out, b_out,
                    idx_v, rows_v, b_v, sem, bsem):
    wid = lax.axis_index("s") * NC + lax.axis_index("c")
    base = wid * BPW
    pltpu.sync_copy(idx_hbm.at[pl.ds(base, BPW)], idx_v)
    bc = pltpu.async_copy(bias_hbm.at[idx_v], b_v, bsem)
    pltpu.async_copy(tab_hbm.at[idx_v], rows_v, sem).wait()
    bc.wait()
    pltpu.sync_copy(rows_v, rows_out.at[pl.ds(base, BPW)])
    pltpu.sync_copy(b_v, b_out.at[pl.ds(base, BPW)])


def _make_sc_gather():
    return pl.kernel(
        _sc_gather_body,
        out_type=[
            jax.ShapeDtypeStruct((B, DIM), jnp.float32),
            jax.ShapeDtypeStruct((B,), jnp.float32),
        ],
        mesh=_MESH,
        scratch_types=[
            pltpu.VMEM((BPW,), jnp.int32),
            pltpu.VMEM((BPW, DIM), jnp.float32),
            pltpu.VMEM((BPW,), jnp.float32),
            pltpu.SemaphoreType.DMA,
            pltpu.SemaphoreType.DMA,
        ],
        compiler_params=pltpu.CompilerParams(use_tc_tiling_on_sc=False),
    )


_sc_gather_word = _make_sc_gather()
_sc_gather_ctx = _make_sc_gather()

_R = 32


def _tc_loss_body(wrows_ref, crows_ref, wb_ref, cb_ref, cooc_ref, out_ref):
    dots = jnp.sum(wrows_ref[:, :] * crows_ref[:, :], axis=1)
    dots = dots.reshape(_R, B // _R)
    b = wb_ref[:, :] + cb_ref[:, :]
    cc = cooc_ref[:, :]
    e = jnp.minimum(jnp.power(cc * (1.0 / X_MAX), ALPHA), 1.0)
    a = dots - jnp.log(cc + 1.0)
    s1 = jnp.sum(e * a * a)
    s2 = jnp.sum(e * a)
    s3 = jnp.sum(b)
    s4 = jnp.sum(b * b)
    s5 = jnp.sum(e)
    loss = s1 / B + (2.0 * s2 * s3 + s5 * s4) / (B * B)
    out_ref[:, :] = jnp.reshape(loss, (1, 1))


_tc_loss = pl.pallas_call(
    _tc_loss_body,
    out_shape=jax.ShapeDtypeStruct((1, 1), jnp.float32),
)


def kernel(word_input, context_input, coocurrence_count, word_emb_table,
           word_bias_table, context_emb_table, context_bias_table):
    crows, cb = _sc_gather_ctx(context_input, context_emb_table,
                               context_bias_table[:, 0])
    wrows, wb = _sc_gather_word(word_input, word_emb_table,
                                word_bias_table[:, 0])
    loss = _tc_loss(wrows, crows, wb.reshape(_R, B // _R),
                    cb.reshape(_R, B // _R),
                    coocurrence_count.reshape(_R, B // _R))
    return loss.reshape(())

# --- scband reference (transcript-rebuilt; emitter-appended) ---
"""Pipeline reference for scband-glove-42399917146181 (READ-ONLY COPY).

The authoritative reference and input builder live on the scoring server;
editing this copy changes nothing except your own understanding.
"""

import jax, jax.numpy as jnp
import numpy as np

VOCAB = 1000000
DIM = 64
B = 4096
X_MAX = 100.0
ALPHA = 0.75


def setup_inputs(seed: int = 0) -> dict:
    key = jax.random.key(seed)
    k1, k2, k3, k4, k5, k6, k7 = jax.random.split(key, 7)
    word_input = jax.random.randint(k1, (B,), 0, VOCAB, dtype=jnp.int32)
    context_input = jax.random.randint(k2, (B,), 0, VOCAB, dtype=jnp.int32)
    coocurrence_count = jax.random.uniform(k3, (B,), dtype=jnp.float32)
    word_emb_table = jax.random.uniform(k4, (VOCAB, DIM), dtype=jnp.float32, minval=-1.0, maxval=1.0)
    word_bias_table = jax.random.uniform(k5, (VOCAB, 1), dtype=jnp.float32, minval=-1.0, maxval=1.0)
    context_emb_table = jax.random.uniform(k6, (VOCAB, DIM), dtype=jnp.float32, minval=-1.0, maxval=1.0)
    context_bias_table = jax.random.uniform(k7, (VOCAB, 1), dtype=jnp.float32, minval=-1.0, maxval=1.0)
    return {
        "word_input": word_input,
        "context_input": context_input,
        "coocurrence_count": coocurrence_count,
        "word_emb_table": word_emb_table,
        "word_bias_table": word_bias_table,
        "context_emb_table": context_emb_table,
        "context_bias_table": context_bias_table,
    }


def reference(word_input, context_input, coocurrence_count, word_emb_table, word_bias_table, context_emb_table, context_bias_table):
    # embedding lookups (SparseCore gather)
    word_emb = jnp.take(word_emb_table, word_input, axis=0)          # [B, DIM]
    word_bias = jnp.take(word_bias_table, word_input, axis=0)       # [B, 1]
    context_emb = jnp.take(context_emb_table, context_input, axis=0)  # [B, DIM]
    context_bias = jnp.take(context_bias_table, context_input, axis=0)  # [B, 1]
    # weighting function f(X_ij)
    equation_1 = jnp.power(coocurrence_count / X_MAX, ALPHA)          # [B]
    equation_1 = jnp.where(equation_1 > 1.0, 1.0, equation_1)
    embedding_multiplication = jnp.sum(word_emb * context_emb, axis=1)  # [B]
    log_cooc = jnp.log(coocurrence_count + 1.0)                        # [B]
    # NOTE: faithful to the original torch code, [B] + [B,1] broadcasts to [B,B]
    equation_2 = (embedding_multiplication + word_bias + context_bias - log_cooc) ** 2
    m_loss = jnp.mean(equation_1 * equation_2)
    return m_loss

if __name__ == "__main__":
    import jax
    _d = setup_inputs()
    print(jax.jit(kernel)(*tuple(_d.values())))

</pallas_src>

<mosaic_0001>
#map = affine_map<(d0, d1) -> (0)>
#map1 = affine_map<(d0, d1) -> (0, 0)>
module attributes {stable_mosaic.version = 14 : i64} {
  func.func @_sc_gather_body(%arg0: i32, %arg1: i32, %arg2: memref<4096xi32, #tpu.memory_space<hbm>>, %arg3: memref<1000000x64xf32, #tpu.memory_space<hbm>>, %arg4: memref<1000000xf32, #tpu.memory_space<hbm>>, %arg5: memref<4096x64xf32, #tpu.memory_space<hbm>>, %arg6: memref<4096xf32, #tpu.memory_space<hbm>>, %arg7: memref<128xi32, #tpu.memory_space<vmem>>, %arg8: memref<128x64xf32, #tpu.memory_space<vmem>>, %arg9: memref<128xf32, #tpu.memory_space<vmem>>, %arg10: memref<!tpu.dma_semaphore, #tpu.memory_space<semaphore_mem>>, %arg11: memref<!tpu.dma_semaphore, #tpu.memory_space<semaphore_mem>>) attributes {dimension_semantics = [#tpu.dimension_semantics<core_parallel>, #tpu.dimension_semantics<subcore_parallel>], iteration_bounds = array<i64: 2, 16>, scalar_prefetch = 0 : i64, scratch_operands = 5 : i64, tpu.core_type = #tpu.core_type<sc_vector_subcore>, window_params = [{transform_indices = #map}, {transform_indices = #map1}, {transform_indices = #map}, {transform_indices = #map1}, {transform_indices = #map}]} {
    %mul3A = arith.constant 2 : i32
    %mul3A_0 = arith.muli %arg1, %mul3A : i32
    %add3A = arith.addi %mul3A_0, %arg0 : i32
    %mul3A_1 = arith.constant 128 : i32
    %mul3A_2 = arith.muli %add3A, %mul3A_1 : i32
    "tpu.region"() ({
      %run_scoped3A = tpu.sem_alloc : memref<!tpu.dma_semaphore, #tpu.memory_space<semaphore_mem>>
      %dma_start3A_11 = tpu.memref_slice %arg2[%mul3A_2] : memref<4096xi32, #tpu.memory_space<hbm>> -> memref<128xi32, #tpu.memory_space<hbm>>
      %dma_start3A_12 = tpu.memref_slice %arg2[%mul3A_2] : memref<4096xi32, #tpu.memory_space<hbm>> -> memref<128xi32, #tpu.memory_space<hbm>>
      tpu.enqueue_dma source(%dma_start3A_12 : memref<128xi32, #tpu.memory_space<hbm>>) target(%arg7 : memref<128xi32, #tpu.memory_space<vmem>>) target_semaphore(%run_scoped3A : memref<!tpu.dma_semaphore, #tpu.memory_space<semaphore_mem>>)
      %dma_wait3A_13 = tpu.memref_slice %arg2[%mul3A_2] : memref<4096xi32, #tpu.memory_space<hbm>> -> memref<128xi32, #tpu.memory_space<hbm>>
      %dma_wait3A_14 = tpu.memref_slice %arg2[%mul3A_2] : memref<4096xi32, #tpu.memory_space<hbm>> -> memref<128xi32, #tpu.memory_space<hbm>>
      tpu.wait_dma2 semaphore(%run_scoped3A : memref<!tpu.dma_semaphore, #tpu.memory_space<semaphore_mem>>) src(%dma_wait3A_14 : memref<128xi32, #tpu.memory_space<hbm>>) dst(%arg7 : memref<128xi32, #tpu.memory_space<vmem>>)
      tpu.yield
    }) : () -> ()
    %dma_start3A = arith.constant 0 : i32
    %dma_start3A_3 = tpu.memref_slice %arg4[%dma_start3A] : memref<1000000xf32, #tpu.memory_space<hbm>> -> memref<1000000xf32, #tpu.memory_space<hbm>>
    tpu.enqueue_indirect_dma source(%dma_start3A_3 : memref<1000000xf32, #tpu.memory_space<hbm>>) target(%arg9 : memref<128xf32, #tpu.memory_space<vmem>>) offsets(%arg7 : memref<128xi32, #tpu.memory_space<vmem>>) semaphore(%arg11 : memref<!tpu.dma_semaphore, #tpu.memory_space<semaphore_mem>>)
    %dma_start3A_4 = arith.constant 0 : i32
    %dma_start3A_5 = arith.constant 0 : i32
    %dma_start3A_6 = tpu.memref_slice %arg3[%dma_start3A_4, %dma_start3A_5] : memref<1000000x64xf32, #tpu.memory_space<hbm>> -> memref<1000000x64xf32, #tpu.memory_space<hbm>>
    tpu.enqueue_indirect_dma source(%dma_start3A_6 : memref<1000000x64xf32, #tpu.memory_space<hbm>>) target(%arg8 : memref<128x64xf32, #tpu.memory_space<vmem>>) offsets(%arg7 : memref<128xi32, #tpu.memory_space<vmem>>) semaphore(%arg10 : memref<!tpu.dma_semaphore, #tpu.memory_space<semaphore_mem>>)
    %dma_wait3A = arith.constant 0 : i32
    %dma_wait3A_7 = arith.constant 0 : i32
    %dma_wait3A_8 = tpu.memref_slice %arg3[%dma_wait3A, %dma_wait3A_7] : memref<1000000x64xf32, #tpu.memory_space<hbm>> -> memref<1000000x64xf32, #tpu.memory_space<hbm>>
    tpu.wait_indirect_dma semaphore(%arg10 : memref<!tpu.dma_semaphore, #tpu.memory_space<semaphore_mem>>) src(%dma_wait3A_8 : memref<1000000x64xf32, #tpu.memory_space<hbm>>) dst(%arg8 : memref<128x64xf32, #tpu.memory_space<vmem>>)
    %dma_wait3A_9 = arith.constant 0 : i32
    %dma_wait3A_10 = tpu.memref_slice %arg4[%dma_wait3A_9] : memref<1000000xf32, #tpu.memory_space<hbm>> -> memref<1000000xf32, #tpu.memory_space<hbm>>
    tpu.wait_indirect_dma semaphore(%arg11 : memref<!tpu.dma_semaphore, #tpu.memory_space<semaphore_mem>>) src(%dma_wait3A_10 : memref<1000000xf32, #tpu.memory_space<hbm>>) dst(%arg9 : memref<128xf32, #tpu.memory_space<vmem>>)
    "tpu.region"() ({
      %run_scoped3A = tpu.sem_alloc : memref<!tpu.dma_semaphore, #tpu.memory_space<semaphore_mem>>
      %dma_start3A_11 = arith.constant 0 : i32
      %dma_start3A_12 = tpu.memref_slice %arg5[%mul3A_2, %dma_start3A_11] : memref<4096x64xf32, #tpu.memory_space<hbm>> -> memref<128x64xf32, #tpu.memory_space<hbm>>
      %dma_start3A_13 = arith.constant 0 : i32
      %dma_start3A_14 = tpu.memref_slice %arg5[%mul3A_2, %dma_start3A_13] : memref<4096x64xf32, #tpu.memory_space<hbm>> -> memref<128x64xf32, #tpu.memory_space<hbm>>
      tpu.enqueue_dma source(%arg8 : memref<128x64xf32, #tpu.memory_space<vmem>>) target(%dma_start3A_14 : memref<128x64xf32, #tpu.memory_space<hbm>>) target_semaphore(%run_scoped3A : memref<!tpu.dma_semaphore, #tpu.memory_space<semaphore_mem>>)
      %dma_wait3A_15 = arith.constant 0 : i32
      %dma_wait3A_16 = tpu.memref_slice %arg5[%mul3A_2, %dma_wait3A_15] : memref<4096x64xf32, #tpu.memory_space<hbm>> -> memref<128x64xf32, #tpu.memory_space<hbm>>
      %dma_wait3A_17 = arith.constant 0 : i32
      %dma_wait3A_18 = tpu.memref_slice %arg5[%mul3A_2, %dma_wait3A_17] : memref<4096x64xf32, #tpu.memory_space<hbm>> -> memref<128x64xf32, #tpu.memory_space<hbm>>
      tpu.wait_dma2 semaphore(%run_scoped3A : memref<!tpu.dma_semaphore, #tpu.memory_space<semaphore_mem>>) src(%arg8 : memref<128x64xf32, #tpu.memory_space<vmem>>) dst(%dma_wait3A_18 : memref<128x64xf32, #tpu.memory_space<hbm>>)
      tpu.yield
    }) : () -> ()
    "tpu.region"() ({
      %run_scoped3A = tpu.sem_alloc : memref<!tpu.dma_semaphore, #tpu.memory_space<semaphore_mem>>
      %dma_start3A_11 = tpu.memref_slice %arg6[%mul3A_2] : memref<4096xf32, #tpu.memory_space<hbm>> -> memref<128xf32, #tpu.memory_space<hbm>>
      %dma_start3A_12 = tpu.memref_slice %arg6[%mul3A_2] : memref<4096xf32, #tpu.memory_space<hbm>> -> memref<128xf32, #tpu.memory_space<hbm>>
      tpu.enqueue_dma source(%arg9 : memref<128xf32, #tpu.memory_space<vmem>>) target(%dma_start3A_12 : memref<128xf32, #tpu.memory_space<hbm>>) target_semaphore(%run_scoped3A : memref<!tpu.dma_semaphore, #tpu.memory_space<semaphore_mem>>)
      %dma_wait3A_13 = tpu.memref_slice %arg6[%mul3A_2] : memref<4096xf32, #tpu.memory_space<hbm>> -> memref<128xf32, #tpu.memory_space<hbm>>
      %dma_wait3A_14 = tpu.memref_slice %arg6[%mul3A_2] : memref<4096xf32, #tpu.memory_space<hbm>> -> memref<128xf32, #tpu.memory_space<hbm>>
      tpu.wait_dma2 semaphore(%run_scoped3A : memref<!tpu.dma_semaphore, #tpu.memory_space<semaphore_mem>>) src(%arg9 : memref<128xf32, #tpu.memory_space<vmem>>) dst(%dma_wait3A_14 : memref<128xf32, #tpu.memory_space<hbm>>)
      tpu.yield
    }) : () -> ()
    return
  }
}

#map = affine_map<(d0, d1) -> (0)>
#map1 = affine_map<(d0, d1) -> (0, 0)>
module attributes {stable_mosaic.version = 14 : i64} {
  func.func @_sc_gather_body(%arg0: i32, %arg1: i32, %arg2: memref<4096xi32, #tpu.memory_space<hbm>>, %arg3: memref<1000000x64xf32, #tpu.memory_space<hbm>>, %arg4: memref<1000000xf32, #tpu.memory_space<hbm>>, %arg5: memref<4096x64xf32, #tpu.memory_space<hbm>>, %arg6: memref<4096xf32, #tpu.memory_space<hbm>>, %arg7: memref<128xi32, #tpu.memory_space<vmem>>, %arg8: memref<128x64xf32, #tpu.memory_space<vmem>>, %arg9: memref<128xf32, #tpu.memory_space<vmem>>, %arg10: memref<!tpu.dma_semaphore, #tpu.memory_space<semaphore_mem>>, %arg11: memref<!tpu.dma_semaphore, #tpu.memory_space<semaphore_mem>>) attributes {dimension_semantics = [#tpu.dimension_semantics<core_parallel>, #tpu.dimension_semantics<subcore_parallel>], iteration_bounds = array<i64: 2, 16>, scalar_prefetch = 0 : i64, scratch_operands = 5 : i64, tpu.core_type = #tpu.core_type<sc_vector_subcore>, window_params = [{transform_indices = #map}, {transform_indices = #map1}, {transform_indices = #map}, {transform_indices = #map1}, {transform_indices = #map}]} {
    %mul3A = arith.constant 2 : i32
    %mul3A_0 = arith.muli %arg1, %mul3A : i32
    %add3A = arith.addi %mul3A_0, %arg0 : i32
    %mul3A_1 = arith.constant 128 : i32
    %mul3A_2 = arith.muli %add3A, %mul3A_1 : i32
    "tpu.region"() ({
      %run_scoped3A = tpu.sem_alloc : memref<!tpu.dma_semaphore, #tpu.memory_space<semaphore_mem>>
      %dma_start3A_11 = tpu.memref_slice %arg2[%mul3A_2] : memref<4096xi32, #tpu.memory_space<hbm>> -> memref<128xi32, #tpu.memory_space<hbm>>
      %dma_start3A_12 = tpu.memref_slice %arg2[%mul3A_2] : memref<4096xi32, #tpu.memory_space<hbm>> -> memref<128xi32, #tpu.memory_space<hbm>>
      tpu.enqueue_dma source(%dma_start3A_12 : memref<128xi32, #tpu.memory_space<hbm>>) target(%arg7 : memref<128xi32, #tpu.memory_space<vmem>>) target_semaphore(%run_scoped3A : memref<!tpu.dma_semaphore, #tpu.memory_space<semaphore_mem>>)
      %dma_wait3A_13 = tpu.memref_slice %arg2[%mul3A_2] : memref<4096xi32, #tpu.memory_space<hbm>> -> memref<128xi32, #tpu.memory_space<hbm>>
      %dma_wait3A_14 = tpu.memref_slice %arg2[%mul3A_2] : memref<4096xi32, #tpu.memory_space<hbm>> -> memref<128xi32, #tpu.memory_space<hbm>>
      tpu.wait_dma2 semaphore(%run_scoped3A : memref<!tpu.dma_semaphore, #tpu.memory_space<semaphore_mem>>) src(%dma_wait3A_14 : memref<128xi32, #tpu.memory_space<hbm>>) dst(%arg7 : memref<128xi32, #tpu.memory_space<vmem>>)
      tpu.yield
    }) : () -> ()
    %dma_start3A = arith.constant 0 : i32
    %dma_start3A_3 = tpu.memref_slice %arg4[%dma_start3A] : memref<1000000xf32, #tpu.memory_space<hbm>> -> memref<1000000xf32, #tpu.memory_space<hbm>>
    tpu.enqueue_indirect_dma source(%dma_start3A_3 : memref<1000000xf32, #tpu.memory_space<hbm>>) target(%arg9 : memref<128xf32, #tpu.memory_space<vmem>>) offsets(%arg7 : memref<128xi32, #tpu.memory_space<vmem>>) semaphore(%arg11 : memref<!tpu.dma_semaphore, #tpu.memory_space<semaphore_mem>>)
    %dma_start3A_4 = arith.constant 0 : i32
    %dma_start3A_5 = arith.constant 0 : i32
    %dma_start3A_6 = tpu.memref_slice %arg3[%dma_start3A_4, %dma_start3A_5] : memref<1000000x64xf32, #tpu.memory_space<hbm>> -> memref<1000000x64xf32, #tpu.memory_space<hbm>>
    tpu.enqueue_indirect_dma source(%dma_start3A_6 : memref<1000000x64xf32, #tpu.memory_space<hbm>>) target(%arg8 : memref<128x64xf32, #tpu.memory_space<vmem>>) offsets(%arg7 : memref<128xi32, #tpu.memory_space<vmem>>) semaphore(%arg10 : memref<!tpu.dma_semaphore, #tpu.memory_space<semaphore_mem>>)
    %dma_wait3A = arith.constant 0 : i32
    %dma_wait3A_7 = arith.constant 0 : i32
    %dma_wait3A_8 = tpu.memref_slice %arg3[%dma_wait3A, %dma_wait3A_7] : memref<1000000x64xf32, #tpu.memory_space<hbm>> -> memref<1000000x64xf32, #tpu.memory_space<hbm>>
    tpu.wait_indirect_dma semaphore(%arg10 : memref<!tpu.dma_semaphore, #tpu.memory_space<semaphore_mem>>) src(%dma_wait3A_8 : memref<1000000x64xf32, #tpu.memory_space<hbm>>) dst(%arg8 : memref<128x64xf32, #tpu.memory_space<vmem>>)
    %dma_wait3A_9 = arith.constant 0 : i32
    %dma_wait3A_10 = tpu.memref_slice %arg4[%dma_wait3A_9] : memref<1000000xf32, #tpu.memory_space<hbm>> -> memref<1000000xf32, #tpu.memory_space<hbm>>
    tpu.wait_indirect_dma semaphore(%arg11 : memref<!tpu.dma_semaphore, #tpu.memory_space<semaphore_mem>>) src(%dma_wait3A_10 : memref<1000000xf32, #tpu.memory_space<hbm>>) dst(%arg9 : memref<128xf32, #tpu.memory_space<vmem>>)
    "tpu.region"() ({
      %run_scoped3A = tpu.sem_alloc : memref<!tpu.dma_semaphore, #tpu.memory_space<semaphore_mem>>
      %dma_start3A_11 = arith.constant 0 : i32
      %dma_start3A_12 = tpu.memref_slice %arg5[%mul3A_2, %dma_start3A_11] : memref<4096x64xf32, #tpu.memory_space<hbm>> -> memref<128x64xf32, #tpu.memory_space<hbm>>
      %dma_start3A_13 = arith.constant 0 : i32
      %dma_start3A_14 = tpu.memref_slice %arg5[%mul3A_2, %dma_start3A_13] : memref<4096x64xf32, #tpu.memory_space<hbm>> -> memref<128x64xf32, #tpu.memory_space<hbm>>
      tpu.enqueue_dma source(%arg8 : memref<128x64xf32, #tpu.memory_space<vmem>>) target(%dma_start3A_14 : memref<128x64xf32, #tpu.memory_space<hbm>>) target_semaphore(%run_scoped3A : memref<!tpu.dma_semaphore, #tpu.memory_space<semaphore_mem>>)
      %dma_wait3A_15 = arith.constant 0 : i32
      %dma_wait3A_16 = tpu.memref_slice %arg5[%mul3A_2, %dma_wait3A_15] : memref<4096x64xf32, #tpu.memory_space<hbm>> -> memref<128x64xf32, #tpu.memory_space<hbm>>
      %dma_wait3A_17 = arith.constant 0 : i32
      %dma_wait3A_18 = tpu.memref_slice %arg5[%mul3A_2, %dma_wait3A_17] : memref<4096x64xf32, #tpu.memory_space<hbm>> -> memref<128x64xf32, #tpu.memory_space<hbm>>
      tpu.wait_dma2 semaphore(%run_scoped3A : memref<!tpu.dma_semaphore, #tpu.memory_space<semaphore_mem>>) src(%arg8 : memref<128x64xf32, #tpu.memory_space<vmem>>) dst(%dma_wait3A_18 : memref<128x64xf32, #tpu.memory_space<hbm>>)
      tpu.yield
    }) : () -> ()
    "tpu.region"() ({
      %run_scoped3A = tpu.sem_alloc : memref<!tpu.dma_semaphore, #tpu.memory_space<semaphore_mem>>
      %dma_start3A_11 = tpu.memref_slice %arg6[%mul3A_2] : memref<4096xf32, #tpu.memory_space<hbm>> -> memref<128xf32, #tpu.memory_space<hbm>>
      %dma_start3A_12 = tpu.memref_slice %arg6[%mul3A_2] : memref<4096xf32, #tpu.memory_space<hbm>> -> memref<128xf32, #tpu.memory_space<hbm>>
      tpu.enqueue_dma source(%arg9 : memref<128xf32, #tpu.memory_space<vmem>>) target(%dma_start3A_12 : memref<128xf32, #tpu.memory_space<hbm>>) target_semaphore(%run_scoped3A : memref<!tpu.dma_semaphore, #tpu.memory_space<semaphore_mem>>)
      %dma_wait3A_13 = tpu.memref_slice %arg6[%mul3A_2] : memref<4096xf32, #tpu.memory_space<hbm>> -> memref<128xf32, #tpu.memory_space<hbm>>
      %dma_wait3A_14 = tpu.memref_slice %arg6[%mul3A_2] : memref<4096xf32, #tpu.memory_space<hbm>> -> memref<128xf32, #tpu.memory_space<hbm>>
      tpu.wait_dma2 semaphore(%run_scoped3A : memref<!tpu.dma_semaphore, #tpu.memory_space<semaphore_mem>>) src(%arg9 : memref<128xf32, #tpu.memory_space<vmem>>) dst(%dma_wait3A_14 : memref<128xf32, #tpu.memory_space<hbm>>)
      tpu.yield
    }) : () -> ()
    return
  }
}

module attributes {stable_mosaic.version = 14 : i64} {
  func.func @_tc_loss_body(%arg0: memref<4096x64xf32, #tpu.memory_space<vmem>>, %arg1: memref<4096x64xf32, #tpu.memory_space<vmem>>, %arg2: memref<32x128xf32, #tpu.memory_space<vmem>>, %arg3: memref<32x128xf32, #tpu.memory_space<vmem>>, %arg4: memref<32x128xf32, #tpu.memory_space<vmem>>, %arg5: memref<1x1xf32, #tpu.memory_space<vmem>>) attributes {dimension_semantics = [], scalar_prefetch = 0 : i64, scratch_operands = 0 : i64, tpu.core_type = #tpu.core_type<tc>} {
    %get3A = arith.constant 0 : index
    %get3A_0 = arith.constant 0 : index
    %get3A_1 = vector.load %arg0[%get3A, %get3A_0] : memref<4096x64xf32, #tpu.memory_space<vmem>>, vector<4096x64xf32>
    %get3A_2 = arith.constant 0 : index
    %get3A_3 = arith.constant 0 : index
    %get3A_4 = vector.load %arg1[%get3A_2, %get3A_3] : memref<4096x64xf32, #tpu.memory_space<vmem>>, vector<4096x64xf32>
    %mul3A = arith.mulf %get3A_1, %get3A_4 : vector<4096x64xf32>
    %reduce_sum3A = arith.constant dense<0.000000e+00> : vector<4096xf32>
    %reduce_sum3A_5 = vector.multi_reduction <add>, %mul3A, %reduce_sum3A [1] : vector<4096x64xf32> to vector<4096xf32>
    %reshape3A = vector.shape_cast %reduce_sum3A_5 : vector<4096xf32> to vector<32x128xf32>
    %get3A_6 = arith.constant 0 : index
    %get3A_7 = arith.constant 0 : index
    %get3A_8 = vector.load %arg2[%get3A_6, %get3A_7] : memref<32x128xf32, #tpu.memory_space<vmem>>, vector<32x128xf32>
    %get3A_9 = arith.constant 0 : index
    %get3A_10 = arith.constant 0 : index
    %get3A_11 = vector.load %arg3[%get3A_9, %get3A_10] : memref<32x128xf32, #tpu.memory_space<vmem>>, vector<32x128xf32>
    %add3A = arith.addf %get3A_8, %get3A_11 : vector<32x128xf32>
    %get3A_12 = arith.constant 0 : index
    %get3A_13 = arith.constant 0 : index
    %get3A_14 = vector.load %arg4[%get3A_12, %get3A_13] : memref<32x128xf32, #tpu.memory_space<vmem>>, vector<32x128xf32>
    %mul3A_15 = arith.constant 0.00999999977 : f32
    %mul3A_16 = vector.broadcast %mul3A_15 : f32 to vector<32x128xf32>
    %mul3A_17 = arith.mulf %get3A_14, %mul3A_16 : vector<32x128xf32>
    %pow3A = arith.constant 7.500000e-01 : f32
    %pow3A_18 = vector.broadcast %pow3A : f32 to vector<32x128xf32>
    %pow3A_19 = math.powf %mul3A_17, %pow3A_18 : vector<32x128xf32>
    %min3A = arith.constant 1.000000e+00 : f32
    %min3A_20 = vector.broadcast %min3A : f32 to vector<32x128xf32>
    %min3A_21 = arith.minimumf %pow3A_19, %min3A_20 : vector<32x128xf32>
    %add3A_22 = arith.constant 1.000000e+00 : f32
    %add3A_23 = vector.broadcast %add3A_22 : f32 to vector<32x128xf32>
    %add3A_24 = arith.addf %get3A_14, %add3A_23 : vector<32x128xf32>
    %log3A = math.log %add3A_24 : vector<32x128xf32>
    %sub3A = arith.subf %reshape3A, %log3A : vector<32x128xf32>
    %mul3A_25 = arith.mulf %min3A_21, %sub3A : vector<32x128xf32>
    %mul3A_26 = arith.mulf %mul3A_25, %sub3A : vector<32x128xf32>
    %reduce_sum3A_27 = vector.shape_cast %mul3A_26 : vector<32x128xf32> to vector<1x32x128xf32>
    %reduce_sum3A_28 = arith.constant dense<0.000000e+00> : vector<1xf32>
    %reduce_sum3A_29 = vector.multi_reduction <add>, %reduce_sum3A_27, %reduce_sum3A_28 [1, 2] : vector<1x32x128xf32> to vector<1xf32>
    %reduce_sum3A_30 = vector.shape_cast %reduce_sum3A_29 : vector<1xf32> to vector<1x1x1xf32>
    %reduce_sum3A_31 = vector.extract %reduce_sum3A_30[0, 0, 0] : f32 from vector<1x1x1xf32>
    %mul3A_32 = arith.mulf %min3A_21, %sub3A : vector<32x128xf32>
    %reduce_sum3A_33 = vector.shape_cast %mul3A_32 : vector<32x128xf32> to vector<1x32x128xf32>
    %reduce_sum3A_34 = arith.constant dense<0.000000e+00> : vector<1xf32>
    %reduce_sum3A_35 = vector.multi_reduction <add>, %reduce_sum3A_33, %reduce_sum3A_34 [1, 2] : vector<1x32x128xf32> to vector<1xf32>
    %reduce_sum3A_36 = vector.shape_cast %reduce_sum3A_35 : vector<1xf32> to vector<1x1x1xf32>
    %reduce_sum3A_37 = vector.extract %reduce_sum3A_36[0, 0, 0] : f32 from vector<1x1x1xf32>
    %reduce_sum3A_38 = vector.shape_cast %add3A : vector<32x128xf32> to vector<1x32x128xf32>
    %reduce_sum3A_39 = arith.constant dense<0.000000e+00> : vector<1xf32>
    %reduce_sum3A_40 = vector.multi_reduction <add>, %reduce_sum3A_38, %reduce_sum3A_39 [1, 2] : vector<1x32x128xf32> to vector<1xf32>
    %reduce_sum3A_41 = vector.shape_cast %reduce_sum3A_40 : vector<1xf32> to vector<1x1x1xf32>
    %reduce_sum3A_42 = vector.extract %reduce_sum3A_41[0, 0, 0] : f32 from vector<1x1x1xf32>
    %mul3A_43 = arith.mulf %add3A, %add3A : vector<32x128xf32>
    %reduce_sum3A_44 = vector.shape_cast %mul3A_43 : vector<32x128xf32> to vector<1x32x128xf32>
    %reduce_sum3A_45 = arith.constant dense<0.000000e+00> : vector<1xf32>
    %reduce_sum3A_46 = vector.multi_reduction <add>, %reduce_sum3A_44, %reduce_sum3A_45 [1, 2] : vector<1x32x128xf32> to vector<1xf32>
    %reduce_sum3A_47 = vector.shape_cast %reduce_sum3A_46 : vector<1xf32> to vector<1x1x1xf32>
    %reduce_sum3A_48 = vector.extract %reduce_sum3A_47[0, 0, 0] : f32 from vector<1x1x1xf32>
    %reduce_sum3A_49 = vector.shape_cast %min3A_21 : vector<32x128xf32> to vector<1x32x128xf32>
    %reduce_sum3A_50 = arith.constant dense<0.000000e+00> : vector<1xf32>
    %reduce_sum3A_51 = vector.multi_reduction <add>, %reduce_sum3A_49, %reduce_sum3A_50 [1, 2] : vector<1x32x128xf32> to vector<1xf32>
    %reduce_sum3A_52 = vector.shape_cast %reduce_sum3A_51 : vector<1xf32> to vector<1x1x1xf32>
    %reduce_sum3A_53 = vector.extract %reduce_sum3A_52[0, 0, 0] : f32 from vector<1x1x1xf32>
    %div3A = arith.constant 4.096000e+03 : f32
    %div3A_54 = arith.divf %reduce_sum3A_31, %div3A : f32
    %mul3A_55 = arith.constant 2.000000e+00 : f32
    %mul3A_56 = arith.mulf %mul3A_55, %reduce_sum3A_37 : f32
    %mul3A_57 = arith.mulf %mul3A_56, %reduce_sum3A_42 : f32
    %mul3A_58 = arith.mulf %reduce_sum3A_53, %reduce_sum3A_48 : f32
    %add3A_59 = arith.addf %mul3A_57, %mul3A_58 : f32
    %div3A_60 = arith.constant 0x4B800000 : f32
    %div3A_61 = arith.divf %add3A_59, %div3A_60 : f32
    %add3A_62 = arith.addf %div3A_54, %div3A_61 : f32
    %reshape3A_63 = vector.broadcast %add3A_62 : f32 to vector<1x1xf32>
    %swap3A = arith.constant 0 : index
    %swap3A_64 = arith.constant 0 : index
    %swap3A_65 = vector.load %arg5[%swap3A, %swap3A_64] : memref<1x1xf32, #tpu.memory_space<vmem>>, vector<1x1xf32>
    tpu.vector_store %arg5[%swap3A, %swap3A_64], %reshape3A_63 {strides = array<i32>} : memref<1x1xf32, #tpu.memory_space<vmem>>, vector<1x1xf32>,
    return
  }
}

</mosaic_0001>

<sc_bundles>
// kernel: kernel.5.cloned.1.call-start
scs
__scs_entry_jumppad:
0x0: {  	(pc) =	sbr.rel $0x88, $3  }
0x1: {  	(tag) =	ssettag $0x0;
	lr =	simm.s32 $0x1  }
0x2: {  	[smem:$0x3F9A] =	sst lr;
	_ =	strace $0xD0000000  }
0x3: {  	_ = 	snop  }
0x4: {  	_ = 	snop  }
0x5: {  	_ = 	snop  }
0x6: {  	_ = 	snop  }
0x7: {  	_ = 	snop  }
__scs_overlays_trampoline_lowered:
0x8: {  	[smem:$0x3FA9] =	sst s0  }
0x9: {  	[smem:$0x3FAA] =	sst s1  }
0xa: {  	[smem:$0x3FAB] =	sst s2  }
0xb: {  	[smem:$0x3FAC] =	sst s3  }
0xc: {  	[smem:$0x3FAD] =	sst s4  }
0xd: {  	[smem:$0x3FAE] =	sst s5  }
0xe: {  	[smem:$0x3FAF] =	sst s6  }
0xf: {  	[smem:$0x3FB0] =	sst s7  }
0x10: {  	[smem:$0x3FB1] =	sst s8  }
0x11: {  	[smem:$0x3FB2] =	sst s9;
	s0 =	simm.s32 @!p0 $0x0  }
0x12: {  	s1 =	sld [smem:$0x3F98];
	s0 =	simm.s32 @p0 $0x1  }
0x13: {  	[smem:$0x3FB3] =	sst s0;
	s0 =	simm.s32 @!p1 $0x0  }
0x14: {  	s2 =	sld [smem:$0x3F97];
	s0 =	simm.s32 @p1 $0x1  }
0x15: {  	[smem:$0x3FB4] =	sst s0;
	s0 =	simm.s32 @!p2 $0x0  }
0x16: {  	s3 =	sld [smem:$0x3FDB];
	s0 =	simm.s32 @p2 $0x1  }
0x17: {  	s4 =	simm.s32 $0x1BF5;
	[smem:$0x3FB6] =	sst s0  }
0x18: {  	s0 =	sld [smem:$0x3F99];
	_ =	swait.ge [sflag:s4], $0x0  }
0x19: {  	s7 =	sld [smem:$0x3F9A]  }
0x1a: {  	s8 =	sadd.s32 $0xFFFFE003, lr  }
0x1b: {  	s9 =	sadd.s32 $0xFFFFFEF7, lr;
	s5 =	simm.s32 $0xFFFFFFFF;
	p2 =	slt.u32 s8, $0xFFFFF086  }
0x1c: {  	p1 =	slt.u32 s9, $0xF7A;
	s5 =	simm.s32 @!p2 $0x0  }
0x1d: {  	s5 =	simm.s32 @p1 $0x1;
	p0 =	seq.s32 s7, s2  }
0x1e: {  	s7 =	smul.u32 @!p0 $0xF7A, s2;
	p2 =	seq.s32 @!p0 s5, $0x0  }
0x1f: {  	s9 =	smul.u32 $0xF7A, s1;
	s8 =	simm.s32 @!p0 $0x1BF5;
	p2 =	por !p2, p0  }
0x20: {  	[sflag:s8] =	ssyncset.s32 @!p0 $0xFFFFF086;
	s6 =	sadd.s32 @!p0 s3, s7;
	s7 =	simm.s32 @!p0 $0x108  }
0x21: {  	s3 =	sadd.s32 s3, s9;
	s6 =	sadd.s32 @!p0 $0x88, s6;
	s7 =	simm.s32 @p2 $0x1082  }
0x22: {  	[simem:s7], [sflag:s8] =	dma.local @!p0 [hbm:s6], $0xF7A  }
0x23: {  	s9 =	sor.u32 $0xD0000000, s2;
	s6 =	simm.s32 $0x108;
	_ =	swait.ge @!p0 [sflag:s8], $0x0  }
0x24: {  	s3 =	sadd.s32 $0x88, s3;
	s6 =	simm.s32 @!p1 $0x1082;
	[sflag:s4] =	ssyncset.s32 $0xFFFFF086  }
0x25: {  	[simem:s6], [sflag:s4] =	dma.local [hbm:s3], $0xF7A  }
0x26: {  	[smem:$0x3F9A] =	sst s1;
	(tag) =	ssettag s2;
	_ =	strace s9  }
0x27: {  	s1 =	sld [smem:$0x3FAA]  }
0x28: {  	s2 =	sld [smem:$0x3FAB]  }
0x29: {  	s4 =	sld [smem:$0x3FAD]  }
0x2a: {  	p0 =	seq.s32 s5, $0x0;
	s5 =	sld [smem:$0x3FAE]  }
0x2b: {  	s6 =	sld [smem:$0x3FAF]  }
0x2c: {  	s7 =	sld [smem:$0x3FB0]  }
0x2d: {  	s3 =	simm.s32 $0x108;
	s8 =	sld [smem:$0x3FB1]  }
0x2e: {  	s3 =	simm.s32 @!p0 $0x1082;
	s9 =	sld [smem:$0x3FB2]  }
0x2f: {  	lr =	sadd.s32 s0, s3;
	s0 =	sld [smem:$0x3FA9]  }
0x30: {  	s3 =	sld [smem:$0x3FAC]  }
0x31: {  	[smem:$0x3FB5] =	sst s10  }
0x32: {  	s10 =	sld [smem:$0x3FB3];
	_ =	sdelay $0x3  }
0x33: {  	p0 =	seq.s32 s10, $0x1;
	s10 =	sld [smem:$0x3FB5];
	_ =	sdelay $0x3  }
0x34: {  	[smem:$0x3FB5] =	sst s10  }
0x35: {  	s10 =	sld [smem:$0x3FB4];
	_ =	sdelay $0x3  }
0x36: {  	p1 =	seq.s32 s10, $0x1;
	s10 =	sld [smem:$0x3FB5];
	_ =	sdelay $0x3  }
0x37: {  	[smem:$0x3FB5] =	sst s10  }
0x38: {  	s10 =	sld [smem:$0x3FB6]  }
0x39: {  	_ = 	snop;
	(pc) =	sbr.ind lr, $3  }
0x3a: {  	_ = 	snop  }
0x3b: {  	_ = 	snop  }
0x3c: {  	p2 =	seq.s32 s10, $0x1;
	s10 =	sld [smem:$0x3FB5]  }
0x3d: {  	_ =	shalt  }
0x3e: {  	_ =	shalt  }
0x3f: {  	_ =	shalt  }
0x40: {  	_ =	shalt  }
0x41: {  	_ =	shalt  }
0x42: {  	_ =	shalt  }
0x43: {  	_ =	shalt  }
0x44: {  	_ =	shalt  }
0x45: {  	_ =	shalt  }
0x46: {  	_ =	shalt  }
0x47: {  	_ =	shalt  }
0x48: {  	_ =	shalt  }
0x49: {  	_ =	shalt  }
0x4a: {  	_ =	shalt  }
0x4b: {  	_ =	shalt  }
0x4c: {  	_ =	shalt  }
0x4d: {  	_ =	shalt  }
0x4e: {  	_ =	shalt  }
0x4f: {  	_ =	shalt  }
0x50: {  	_ =	shalt  }
0x51: {  	_ =	shalt  }
0x52: {  	_ =	shalt  }
0x53: {  	_ =	shalt  }
0x54: {  	_ =	shalt  }
0x55: {  	_ =	shalt  }
0x56: {  	_ =	shalt  }
0x57: {  	_ =	shalt  }
0x58: {  	_ =	shalt  }
0x59: {  	_ =	shalt  }
0x5a: {  	_ =	shalt  }
0x5b: {  	_ =	shalt  }
0x5c: {  	_ =	shalt  }
0x5d: {  	_ =	shalt  }
0x5e: {  	_ =	shalt  }
0x5f: {  	_ =	shalt  }
0x60: {  	_ =	shalt  }
0x61: {  	_ =	shalt  }
0x62: {  	_ =	shalt  }
0x63: {  	_ =	shalt  }
0x64: {  	_ =	shalt  }
0x65: {  	_ =	shalt  }
0x66: {  	_ =	shalt  }
0x67: {  	_ =	shalt  }
0x68: {  	_ =	shalt  }
0x69: {  	_ =	shalt  }
0x6a: {  	_ =	shalt  }
0x6b: {  	_ =	shalt  }
0x6c: {  	_ =	shalt  }
0x6d: {  	_ =	shalt  }
0x6e: {  	_ =	shalt  }
0x6f: {  	_ =	shalt  }
0x70: {  	_ =	shalt  }
0x71: {  	_ =	shalt  }
0x72: {  	_ =	shalt  }
0x73: {  	_ =	shalt  }
0x74: {  	_ =	shalt  }
0x75: {  	_ =	shalt  }
0x76: {  	_ =	shalt  }
0x77: {  	_ =	shalt  }
0x78: {  	_ =	shalt  }
0x79: {  	_ =	shalt  }
0x7a: {  	_ =	shalt  }
0x7b: {  	_ =	shalt  }
0x7c: {  	_ =	shalt  }
0x7d: {  	_ =	shalt  }
0x7e: {  	_ =	shalt  }
0x7f: {  	_ =	shalt  }
0x80: {  	_ =	shalt  }
0x81: {  	_ =	shalt  }
0x82: {  	_ =	shalt  }
0x83: {  	_ =	shalt  }
0x84: {  	_ =	shalt  }
0x85: {  	_ =	shalt  }
0x86: {  	_ =	shalt  }
0x87: {  	_ =	shalt  }
.Lfunc_end0:
.L_simem_size_0:
called_computation_lowered:
.L_overlay_start_0:
0x88: {  	s2 =	sld [smem:$0x3FD9]  }
0x89: {  	s3 =	sld [smem:$0x3FFE];
	_ =	sdelay $0x1  }
0x8a: {  	s1 =	srdreg.scid  }
0x8b: {  	s0 =	sand.u32 $0x1, s1  }
0x8c: {  	s17 =	sshll.u32 s0, $0xA;
	s2 =	sadd.s32 s3, s2  }
0x8d: {  	s2 =	sadd.s32 s2, s17  }
0x8e: {  	[smem:$0x3FC1] =	sst s2  }
0x8f: {  	_ = 	snop  }
0x90: {  	s2 =	sld [smem:$0x3FC8];
	(tm) =	ssettm $0x1  }
0x91: {  	s18 =	sld [smem:$0x3FFB];
	_ =	sdelay $0x3  }
0x92: {  	_ =	strace s18  }
0x93: {  	s3 =	sld [smem:$0x3FFC];
	_ =	sdelay $0x3  }
0x94: {  	_ =	strace s3  }
0x95: {  	s3 =	sld [smem:$0x3FFD];
	_ =	sdelay $0x3  }
0x96: {  	_ =	strace s3  }
0x97: {  	_ =	strace $0x8FFFFFFF  }
0x98: {  	s19 =	sld [smem:$0x3FDB];
	_ =	sdelay $0x1  }
0x99: {  	s4 =	simm.s32 $_scs_section_size  }
0x9a: {  	s5 =	simm.s32 $_size__tile_overlayer_lowered;
	s6 =	simm.s32 $_tile_overlayer_lowered  }
0x9b: {  	s22 =	simm.s32 $0x1BFF;
	s21 =	sshll.u32 s6, $0x1;
	s3 =	sadd.s32 s4, s19  }
0x9c: {  	s7 =	simm.s32 $0x0;
	s20 =	sshll.u32 s5, $0x1;
	s5 =	sadd.s32 s21, s3  }
0x9d: {  	[timem:s7], [sflag:s22] =	dma.local [hbm:s5], s20  }
0x9e: {  	_ =	swait.ge [sflag:s22], s20  }
0x9f: {  	s4 =	ssub.s32 $0x0, s20;
	[sflag:s22] =	ssyncset.done $0x0  }
0xa0: {  	[sflag:s22] =	ssyncadd.s32 s4;
	_ =	sdelay $0x1  }
0xa1: {  	s23 =	simm.s32 $0x1B8B  }
0xa2: {  	_ =	swait.ge [sflag:s23], $0x1  }
0xa3: {  	[sflag:s23] =	ssyncset.done $0x0  }
0xa4: {  	s25 =	simm.s32 $0x1B8E;
	s24 =	sld [smem:$0x3FFE];
	[sflag:s23] =	ssyncadd.s32 $0xFFFFFFFF  }
0xa5: {  	s26 =	simm.s32 $execute0_lowered;
	[smem:$0x3FD2] =	sst s25  }
0xa6: {  	s5 =	sshll.u32 s26, $0x1;
	_ =	strace $0x80000046;
	[dreg:$0x1] =	wrdreg $0xFFFFFFFF  }
0xa7: {  	s28 =	simm.s32 $_size_execute0_lowered;
	s3 =	sadd.s32 s3, s5;
	[dreg:$0x0] =	wrdreg $0x0  }
0xa8: {  	s5 =	sshll.u32 s28, $0x1;
	[dreg:$0x2] =	wrdreg s3  }
0xa9: {  	[dreg:$0x3] =	wrdreg s5  }
0xaa: {  	[dreg:$0x4] =	wrdreg $0xC0  }
0xab: {  	_ =	task [dreg:s7], $0x5FFFF  }
0xac: {  	[dreg:$0x1] =	wrdreg $0xFFFFFFFF  }
0xad: {  	[dreg:$0x0] =	wrdreg $0x60  }
0xae: {  	[dreg:$0x2] =	wrdreg s2  }
0xaf: {  	[dreg:$0x3] =	wrdreg s24  }
0xb0: {  	[dreg:$0x4] =	wrdreg $0x9  }
0xb1: {  	_ =	task.clear_ibuf [dreg:s7], $0x5FFFF;
	_ =	strace $0x90000046  }
0xb2: {  	s29 =	simm.s32 $0x9;
	_ =	strace $0x80000048  }
0xb3: {  	_ =	swait.ge [sflag:s29], $0x1  }
0xb4: {  	[sflag:s29] =	ssyncadd.s32 $0xFFFFFFFF  }
0xb5: {  	_ =	strace $0x90000048  }
0xb6: {  	_ =	sfence  }
0xb7: {  	s30 =	sld [smem:$0x0];
	_ =	sdelay $0x2  }
0xb8: {  	s31 =	sshll.u32 s1, $0xD;
	s1 =	sshrl.u32 s1, $0x2  }
0xb9: {  	s3 =	sand.u32 $0x4000, s31;
	s1 =	sadd.s32 s1, s30  }
0xba: {  	s0 =	sor.u32 s3, s0;
	s1 =	sshll.u32 s1, $0x11  }
0xbb: {  	s0 =	sor.u32 s1, s0  }
0xbc: {  	s0 =	sadd.s32 $0x8F2B, s0  }
0xbd: {  	[sflag:s0] =	ssyncadd.remote.s32 $0x1  }
0xbe: {  	_ =	sfence.sel $0xFFFF  }
0xbf: {  	[dreg:$0x0] =	wrdreg $0xFFFFFFFF;
	(pc) =	sbr.abs _section_cstart, $3  }
0xc0: {  	[dreg:$0x1] =	wrdreg $0xFFFFFFFF  }
0xc1: {  	_ =	task.clear_ibuf [dreg:s7], $0x2FFFF;
	_ =	strace $0x9FFFFFFF  }
0xc2: {  	(tm) =	ssettm $0x7FFFFFFF  }
0xc3: {  	_ =	shalt  }
tec
execute0_lowered:
.L_overlay_start_1:
0x0: {  	(tag) =	ssettag $0x1  }
0x1: {  	s1 =	srdreg.scid  }
0x2: {  	s3 =	rddreg [dreg:$0x0];
	s0 =	stileid.u32;
	s11 =	sand.u32 $0x1, s1  }
0x3: {  	s12 =	rddreg [dreg:$0x1];
	s4 =	sshll.u32 s0, $0x8;
	s5 =	sshll.u32 s11, $0x7  }
0x4: {  	s2 =	simm.s32 $0x0;
	s1 =	rddreg [dreg:$0x2];
	s13 =	sor.u32 s5, s4  }
0x5: {  	[smem:$0x7FF] =	sst s2;
	s14 =	sshrl.u32 s13, $0x3  }
0x6: {  	_ =	strace $0x80000047;
	s4 =	sadd.s32 s3, s14;
	s3 =	simm.s32 $0x3  }
0x7: {  	[tilespmem:s2], [sflag:$0x3] =	stream.linear.gather [hbm4b:s4+s2], $0x80, $0x38;
	[tilespmem:$0x2100] =	vst v63  }
0x8: {  	_ =	swait.ge [sflag:s3], $0x80  }
0x9: {  	s6 =	simm.s32 $0x80;
	[sflag:s3] =	ssyncset.done $0x0  }
0xa: {  	s7 =	simm.s32 $0x2080;
	s5 =	sadd.s32 $0x1000, s12;
	[sflag:s3] =	ssyncadd.s32 $0xFFFFFF80  }
0xb: {  	[tilespmem:s7], [sflag:$0x2] =	stream.indirect.gather [hbm4b:s5+s6], $0x1, s2, s6, $0xb8;
	[tilespmem:$0x2100] =	vst v63  }
0xc: {  	s9 =	simm.s32 $0x1;
	s8 =	sadd.s32 $0xF43400, s12  }
0xd: {  	[tilespmem:s6], [sflag:$0x1] =	stream.indirect.gather [hbm4b:s8+s6], $0x40, s2, s6, $0xb8;
	[tilespmem:$0x2100] =	vst v63  }
0xe: {  	_ =	swait.ge [sflag:s9], $0x2000  }
0xf: {  	s10 =	simm.s32 $0x2;
	[sflag:s9] =	ssyncset.done $0x0  }
0x10: {  	s15 =	ssub.s32 $0x2, s11;
	s13 =	sshll.u32 s13, $0x3;
	[sflag:s9] =	ssyncadd.s32 $0xFFFFE000  }
0x11: {  	s31 =	sshrl.u32 s15, $0x1;
	s13 =	sadd.s32 s13, s12;
	_ =	swait.ge [sflag:s10], $0x80  }
0x12: {  	s11 =	sadd.s32 $0x1FA00, s13;
	s13 =	ssub.s32 s15, s31;
	[sflag:s10] =	ssyncset.done $0x0  }
0x13: {  	s13 =	smax.u32 s13, $0x1;
	[sflag:s10] =	ssyncadd.s32 $0xFFFFFF80  }
0x14: {  	[hbm4b:s11+s2] =	stream.linear.scatter [tilespmem:s6], [sflag:$0x3], $0x2000, $0x38;
	[tilespmem:$0x2100] =	vst v63  }
0x15: {  	p0 =	sne.s32 s13, $0x1;
	_ =	swait.ge [sflag:s3], $0x2000  }
.Ltmp0:
0x16: {  	s12 =	sadd.s32 s14, s12;
	[sflag:s3] =	ssyncset.done $0x0;
	(pc) =	sbr.rel @!p0 .LBB2_2-.Ltmp0, $4  }
0x17: {  	s12 =	sadd.s32 $0x27A00, s12;
	[sflag:s3] =	ssyncadd.s32 $0xFFFFE000  }
0x18: {  	[hbm4b:s12+s2] =	stream.linear.scatter [tilespmem:s7], [sflag:$0x3], $0x80, $0x38;
	[tilespmem:$0x2100] =	vst v63  }
0x19: {  	_ =	swait.ge [sflag:s3], $0x80  }
0x1a: {  	s13 =	sadd.s32 $0xFFFFFFFF, s13;
	[sflag:s3] =	ssyncset.done $0x0  }
.LBB2_1:
0x1b: {  	p0 =	sne.s32 s13, $0x1;
	s13 =	sadd.s32 $0xFFFFFFFF, s13;
	[sflag:s3] =	ssyncadd.s32 $0xFFFFFF80  }
0x1c: {  	[tilespmem:s2], [sflag:$0x3] =	stream.linear.gather [hbm4b:s4+s2], $0x80, $0x38;
	[tilespmem:$0x2100] =	vst v63  }
0x1d: {  	_ =	swait.ge [sflag:s3], $0x80  }
0x1e: {  	[sflag:s3] =	ssyncset.done $0x0  }
0x1f: {  	[sflag:s3] =	ssyncadd.s32 $0xFFFFFF80  }
0x20: {  	[tilespmem:s7], [sflag:$0x2] =	stream.indirect.gather [hbm4b:s5+s6], $0x1, s2, s6, $0xb8;
	[tilespmem:$0x2100] =	vst v63  }
0x21: {  	_ = 	snop  }
0x22: {  	[tilespmem:s6], [sflag:$0x1] =	stream.indirect.gather [hbm4b:s8+s6], $0x40, s2, s6, $0xb8;
	[tilespmem:$0x2100] =	vst v63  }
0x23: {  	_ =	swait.ge [sflag:s9], $0x2000  }
0x24: {  	[sflag:s9] =	ssyncset.done $0x0  }
0x25: {  	[sflag:s9] =	ssyncadd.s32 $0xFFFFE000  }
0x26: {  	_ =	swait.ge [sflag:s10], $0x80  }
0x27: {  	[sflag:s10] =	ssyncset.done $0x0  }
0x28: {  	[sflag:s10] =	ssyncadd.s32 $0xFFFFFF80  }
0x29: {  	[hbm4b:s11+s2] =	stream.linear.scatter [tilespmem:s6], [sflag:$0x3], $0x2000, $0x38;
	[tilespmem:$0x2100] =	vst v63  }
0x2a: {  	_ =	swait.ge [sflag:s3], $0x2000  }
.Ltmp1:
0x2b: {  	[sflag:s3] =	ssyncset.done $0x0;
	(pc) =	sbr.rel @p0 .LBB2_1-.Ltmp1, $4  }
0x2c: {  	[sflag:s3] =	ssyncadd.s32 $0xFFFFE000  }
0x2d: {  	[hbm4b:s12+s2] =	stream.linear.scatter [tilespmem:s7], [sflag:$0x3], $0x80, $0x38;
	[tilespmem:$0x2100] =	vst v63  }
0x2e: {  	_ =	swait.ge [sflag:s3], $0x80  }
0x2f: {  	[sflag:s3] =	ssyncset.done $0x0  }
.LBB2_2:
0x30: {  	[sflag:s3] =	ssyncadd.s32 $0xFFFFFF80  }
0x31: {  	_ =	sfence.sel $0x180000  }
0x32: {  	[bflag:$0x0] =	sbarrier.arrive $0xFFFF  }
0x33: {  	p0 =	sne.s32 s0, $0x0;
	_ =	strace $0x90000047  }
0x34: {  	s0 =	sadd.s32 @!p0 $0x100000, s1;
	[bflag:$0x2] =	sbarrier.arrive $0xFFFF  }
0x35: {  	[sflag:s0] =	ssyncadd.tile.s32 @!p0 $0x1;
	_ =	shalt  }
.Lfunc_end2:
_tile_overlayer_lowered:
.L_overlay_start_2:
0x36: {  	(tag) =	ssettag $0x2  }
0x37: {  	s0 =	rddreg [dreg:$0x0];
	s2 =	stileid.u32  }
0x38: {  	s1 =	rddreg [dreg:$0x1];
	p0 =	sne.s32 s2, $0x0  }
0x39: {  	s3 =	rddreg [dreg:$0x2];
	[bflag:$0x3] =	sbarrier.arrive $0xFFFF;
	s2 =	simm.s32 @!p0 $0x1C03  }
0x3a: {  	[timem:s3], [sflag:s2] =	dma.local @!p0 [hbm:s0], s1  }
0x3b: {  	s0 =	simm.s32 @!p0 $0x3  }
0x3c: {  	_ =	swait.ge @!p0 [sflag:s0], s1  }
0x3d: {  	s1 =	ssub.s32 @!p0 $0x0, s1;
	[sflag:s0] =	ssyncset.done @!p0 $0x0  }
0x3e: {  	[sflag:s0] =	ssyncadd.s32 @!p0 s1  }
0x3f: {  	[bflag:$0x3] =	sbarrier.arrive $0xFFFF  }
0x40: {  	_ =	shalt  }

// kernel: kernel.8.cloned.1.call-start
scs
__scs_entry_jumppad:
0x0: {  	(pc) =	sbr.rel $0x88, $3  }
0x1: {  	(tag) =	ssettag $0x0;
	lr =	simm.s32 $0x1  }
0x2: {  	[smem:$0x3F9A] =	sst lr;
	_ =	strace $0xD0000000  }
0x3: {  	_ = 	snop  }
0x4: {  	_ = 	snop  }
0x5: {  	_ = 	snop  }
0x6: {  	_ = 	snop  }
0x7: {  	_ = 	snop  }
__scs_overlays_trampoline_lowered:
0x8: {  	[smem:$0x3FA9] =	sst s0  }
0x9: {  	[smem:$0x3FAA] =	sst s1  }
0xa: {  	[smem:$0x3FAB] =	sst s2  }
0xb: {  	[smem:$0x3FAC] =	sst s3  }
0xc: {  	[smem:$0x3FAD] =	sst s4  }
0xd: {  	[smem:$0x3FAE] =	sst s5  }
0xe: {  	[smem:$0x3FAF] =	sst s6  }
0xf: {  	[smem:$0x3FB0] =	sst s7  }
0x10: {  	[smem:$0x3FB1] =	sst s8  }
0x11: {  	[smem:$0x3FB2] =	sst s9;
	s0 =	simm.s32 @!p0 $0x0  }
0x12: {  	s1 =	sld [smem:$0x3F98];
	s0 =	simm.s32 @p0 $0x1  }
0x13: {  	[smem:$0x3FB3] =	sst s0;
	s0 =	simm.s32 @!p1 $0x0  }
0x14: {  	s2 =	sld [smem:$0x3F97];
	s0 =	simm.s32 @p1 $0x1  }
0x15: {  	[smem:$0x3FB4] =	sst s0;
	s0 =	simm.s32 @!p2 $0x0  }
0x16: {  	s3 =	sld [smem:$0x3FDB];
	s0 =	simm.s32 @p2 $0x1  }
0x17: {  	s4 =	simm.s32 $0x1BF5;
	[smem:$0x3FB6] =	sst s0  }
0x18: {  	s0 =	sld [smem:$0x3F99];
	_ =	swait.ge [sflag:s4], $0x0  }
0x19: {  	s7 =	sld [smem:$0x3F9A]  }
0x1a: {  	s8 =	sadd.s32 $0xFFFFE003, lr  }
0x1b: {  	s9 =	sadd.s32 $0xFFFFFEF7, lr;
	s5 =	simm.s32 $0xFFFFFFFF;
	p2 =	slt.u32 s8, $0xFFFFF086  }
0x1c: {  	p1 =	slt.u32 s9, $0xF7A;
	s5 =	simm.s32 @!p2 $0x0  }
0x1d: {  	s5 =	simm.s32 @p1 $0x1;
	p0 =	seq.s32 s7, s2  }
0x1e: {  	s7 =	smul.u32 @!p0 $0xF7A, s2;
	p2 =	seq.s32 @!p0 s5, $0x0  }
0x1f: {  	s9 =	smul.u32 $0xF7A, s1;
	s8 =	simm.s32 @!p0 $0x1BF5;
	p2 =	por !p2, p0  }
0x20: {  	[sflag:s8] =	ssyncset.s32 @!p0 $0xFFFFF086;
	s6 =	sadd.s32 @!p0 s3, s7;
	s7 =	simm.s32 @!p0 $0x108  }
0x21: {  	s3 =	sadd.s32 s3, s9;
	s6 =	sadd.s32 @!p0 $0x88, s6;
	s7 =	simm.s32 @p2 $0x1082  }
0x22: {  	[simem:s7], [sflag:s8] =	dma.local @!p0 [hbm:s6], $0xF7A  }
0x23: {  	s9 =	sor.u32 $0xD0000000, s2;
	s6 =	simm.s32 $0x108;
	_ =	swait.ge @!p0 [sflag:s8], $0x0  }
0x24: {  	s3 =	sadd.s32 $0x88, s3;
	s6 =	simm.s32 @!p1 $0x1082;
	[sflag:s4] =	ssyncset.s32 $0xFFFFF086  }
0x25: {  	[simem:s6], [sflag:s4] =	dma.local [hbm:s3], $0xF7A  }
0x26: {  	[smem:$0x3F9A] =	sst s1;
	(tag) =	ssettag s2;
	_ =	strace s9  }
0x27: {  	s1 =	sld [smem:$0x3FAA]  }
0x28: {  	s2 =	sld [smem:$0x3FAB]  }
0x29: {  	s4 =	sld [smem:$0x3FAD]  }
0x2a: {  	p0 =	seq.s32 s5, $0x0;
	s5 =	sld [smem:$0x3FAE]  }
0x2b: {  	s6 =	sld [smem:$0x3FAF]  }
0x2c: {  	s7 =	sld [smem:$0x3FB0]  }
0x2d: {  	s3 =	simm.s32 $0x108;
	s8 =	sld [smem:$0x3FB1]  }
0x2e: {  	s3 =	simm.s32 @!p0 $0x1082;
	s9 =	sld [smem:$0x3FB2]  }
0x2f: {  	lr =	sadd.s32 s0, s3;
	s0 =	sld [smem:$0x3FA9]  }
0x30: {  	s3 =	sld [smem:$0x3FAC]  }
0x31: {  	[smem:$0x3FB5] =	sst s10  }
0x32: {  	s10 =	sld [smem:$0x3FB3];
	_ =	sdelay $0x3  }
0x33: {  	p0 =	seq.s32 s10, $0x1;
	s10 =	sld [smem:$0x3FB5];
	_ =	sdelay $0x3  }
0x34: {  	[smem:$0x3FB5] =	sst s10  }
0x35: {  	s10 =	sld [smem:$0x3FB4];
	_ =	sdelay $0x3  }
0x36: {  	p1 =	seq.s32 s10, $0x1;
	s10 =	sld [smem:$0x3FB5];
	_ =	sdelay $0x3  }
0x37: {  	[smem:$0x3FB5] =	sst s10  }
0x38: {  	s10 =	sld [smem:$0x3FB6]  }
0x39: {  	_ = 	snop;
	(pc) =	sbr.ind lr, $3  }
0x3a: {  	_ = 	snop  }
0x3b: {  	_ = 	snop  }
0x3c: {  	p2 =	seq.s32 s10, $0x1;
	s10 =	sld [smem:$0x3FB5]  }
0x3d: {  	_ =	shalt  }
0x3e: {  	_ =	shalt  }
0x3f: {  	_ =	shalt  }
0x40: {  	_ =	shalt  }
0x41: {  	_ =	shalt  }
0x42: {  	_ =	shalt  }
0x43: {  	_ =	shalt  }
0x44: {  	_ =	shalt  }
0x45: {  	_ =	shalt  }
0x46: {  	_ =	shalt  }
0x47: {  	_ =	shalt  }
0x48: {  	_ =	shalt  }
0x49: {  	_ =	shalt  }
0x4a: {  	_ =	shalt  }
0x4b: {  	_ =	shalt  }
0x4c: {  	_ =	shalt  }
0x4d: {  	_ =	shalt  }
0x4e: {  	_ =	shalt  }
0x4f: {  	_ =	shalt  }
0x50: {  	_ =	shalt  }
0x51: {  	_ =	shalt  }
0x52: {  	_ =	shalt  }
0x53: {  	_ =	shalt  }
0x54: {  	_ =	shalt  }
0x55: {  	_ =	shalt  }
0x56: {  	_ =	shalt  }
0x57: {  	_ =	shalt  }
0x58: {  	_ =	shalt  }
0x59: {  	_ =	shalt  }
0x5a: {  	_ =	shalt  }
0x5b: {  	_ =	shalt  }
0x5c: {  	_ =	shalt  }
0x5d: {  	_ =	shalt  }
0x5e: {  	_ =	shalt  }
0x5f: {  	_ =	shalt  }
0x60: {  	_ =	shalt  }
0x61: {  	_ =	shalt  }
0x62: {  	_ =	shalt  }
0x63: {  	_ =	shalt  }
0x64: {  	_ =	shalt  }
0x65: {  	_ =	shalt  }
0x66: {  	_ =	shalt  }
0x67: {  	_ =	shalt  }
0x68: {  	_ =	shalt  }
0x69: {  	_ =	shalt  }
0x6a: {  	_ =	shalt  }
0x6b: {  	_ =	shalt  }
0x6c: {  	_ =	shalt  }
0x6d: {  	_ =	shalt  }
0x6e: {  	_ =	shalt  }
0x6f: {  	_ =	shalt  }
0x70: {  	_ =	shalt  }
0x71: {  	_ =	shalt  }
0x72: {  	_ =	shalt  }
0x73: {  	_ =	shalt  }
0x74: {  	_ =	shalt  }
0x75: {  	_ =	shalt  }
0x76: {  	_ =	shalt  }
0x77: {  	_ =	shalt  }
0x78: {  	_ =	shalt  }
0x79: {  	_ =	shalt  }
0x7a: {  	_ =	shalt  }
0x7b: {  	_ =	shalt  }
0x7c: {  	_ =	shalt  }
0x7d: {  	_ =	shalt  }
0x7e: {  	_ =	shalt  }
0x7f: {  	_ =	shalt  }
0x80: {  	_ =	shalt  }
0x81: {  	_ =	shalt  }
0x82: {  	_ =	shalt  }
0x83: {  	_ =	shalt  }
0x84: {  	_ =	shalt  }
0x85: {  	_ =	shalt  }
0x86: {  	_ =	shalt  }
0x87: {  	_ =	shalt  }
.Lfunc_end0:
.L_simem_size_0:
called_computation.1_lowered:
.L_overlay_start_0:
0x88: {  	s2 =	sld [smem:$0x3FD9]  }
0x89: {  	s3 =	sld [smem:$0x3FFE];
	_ =	sdelay $0x1  }
0x8a: {  	s1 =	srdreg.scid  }
0x8b: {  	s0 =	sand.u32 $0x1, s1  }
0x8c: {  	s17 =	sshll.u32 s0, $0xA;
	s2 =	sadd.s32 s3, s2  }
0x8d: {  	s2 =	sadd.s32 s2, s17  }
0x8e: {  	[smem:$0x3FC1] =	sst s2  }
0x8f: {  	_ = 	snop  }
0x90: {  	s18 =	sld [smem:$0x3FC9];
	(tm) =	ssettm $0x1  }
0x91: {  	s19 =	sld [smem:$0x3FFB];
	_ =	sdelay $0x3  }
0x92: {  	_ =	strace s19  }
0x93: {  	s2 =	sld [smem:$0x3FFC];
	_ =	sdelay $0x3  }
0x94: {  	_ =	strace s2  }
0x95: {  	s2 =	sld [smem:$0x3FFD];
	_ =	sdelay $0x3  }
0x96: {  	_ =	strace s2  }
0x97: {  	_ =	strace $0x8FFFFFFF  }
0x98: {  	s20 =	sld [smem:$0x3FDB];
	_ =	sdelay $0x1  }
0x99: {  	s4 =	simm.s32 $_scs_section_size  }
0x9a: {  	s5 =	simm.s32 $_size__tile_overlayer_lowered;
	s6 =	simm.s32 $_tile_overlayer_lowered  }
0x9b: {  	s7 =	simm.s32 $0x1BFF;
	s21 =	sshll.u32 s6, $0x1;
	s4 =	sadd.s32 s4, s20  }
0x9c: {  	s22 =	simm.s32 $0x0;
	s5 =	sshll.u32 s5, $0x1;
	s6 =	sadd.s32 s21, s4  }
0x9d: {  	[timem:s22], [sflag:s7] =	dma.local [hbm:s6], s5  }
0x9e: {  	_ =	swait.ge [sflag:s7], s5  }
0x9f: {  	s5 =	ssub.s32 $0x0, s5;
	[sflag:s7] =	ssyncset.done $0x0  }
0xa0: {  	[sflag:s7] =	ssyncadd.s32 s5;
	_ =	sdelay $0x1  }
0xa1: {  	s23 =	simm.s32 $0x1B8B  }
0xa2: {  	_ =	swait.ge [sflag:s23], $0x1  }
0xa3: {  	[sflag:s23] =	ssyncset.done $0x0  }
0xa4: {  	[sflag:s23] =	ssyncadd.s32 $0xFFFFFFFF  }
0xa5: {  	s5 =	sld [smem:$0x0]  }
0xa6: {  	s6 =	sand.u32 $0xFFFFFFFE, s1  }
0xa7: {  	p0 =	sne.s32 s1, s6  }
0xa8: {  	s6 =	sshll.u32 @p0 s6, $0xE  }
0xa9: {  	s6 =	sadd.s32 @p0 $0x11B8D, s6;
	s7 =	sshll.u32 @p0 s5, $0x11  }
0xaa: {  	s6 =	sor.u32 @p0 s7, s6  }
0xab: {  	[sflag:s6] =	ssyncadd.remote.s32 @p0 $0x1;
	_ =	sdelay $0x1  }
0xac: {  	s6 =	simm.s32 @p0 $0x1B8D  }
0xad: {  	_ =	swait.eq @p0 [sflag:s6], $0x1  }
0xae: {  	[sflag:s6] =	ssyncadd.s32 @p0 $0xFFFFFFFF  }
0xaf: {  	s7 =	sshll.u32 @!p0 s1, $0xE  }
0xb0: {  	s7 =	sor.u32 @!p0 $0x4000, s7;
	s6 =	simm.s32 @!p0 $0x1B8D  }
0xb1: {  	s5 =	sshll.u32 @!p0 s5, $0x11;
	s7 =	sadd.s32 @!p0 $0x11B8D, s7;
	_ =	swait.eq @!p0 [sflag:s6], $0x1  }
0xb2: {  	s5 =	sor.u32 @!p0 s5, s7;
	[sflag:s6] =	ssyncadd.s32 @!p0 $0xFFFFFFFF  }
0xb3: {  	s25 =	simm.s32 $0x1B8E;
	s24 =	sld [smem:$0x3FFE];
	[sflag:s5] =	ssyncadd.remote.s32 @!p0 $0x1  }
0xb4: {  	s26 =	simm.s32 $execute0_lowered;
	[smem:$0x3FD2] =	sst s25  }
0xb5: {  	s6 =	sshll.u32 s26, $0x1;
	_ =	strace $0x80000049;
	[dreg:$0x1] =	wrdreg $0xFFFFFFFF  }
0xb6: {  	s28 =	simm.s32 $_size_execute0_lowered;
	s4 =	sadd.s32 s4, s6;
	[dreg:$0x0] =	wrdreg $0x0  }
0xb7: {  	s6 =	sshll.u32 s28, $0x1;
	[dreg:$0x2] =	wrdreg s4  }
0xb8: {  	[dreg:$0x3] =	wrdreg s6  }
0xb9: {  	[dreg:$0x4] =	wrdreg $0xC0  }
0xba: {  	_ =	task [dreg:s22], $0x5FFFF  }
0xbb: {  	[dreg:$0x1] =	wrdreg $0xFFFFFFFF  }
0xbc: {  	[dreg:$0x0] =	wrdreg $0x60  }
0xbd: {  	[dreg:$0x2] =	wrdreg s18  }
0xbe: {  	[dreg:$0x3] =	wrdreg s24  }
0xbf: {  	[dreg:$0x4] =	wrdreg $0xA  }
0xc0: {  	_ =	task.clear_ibuf [dreg:s22], $0x5FFFF;
	_ =	strace $0x90000049  }
0xc1: {  	s29 =	simm.s32 $0xA;
	_ =	strace $0x8000004B  }
0xc2: {  	_ =	swait.ge [sflag:s29], $0x1  }
0xc3: {  	[sflag:s29] =	ssyncadd.s32 $0xFFFFFFFF  }
0xc4: {  	_ =	strace $0x9000004B  }
0xc5: {  	_ =	sfence  }
0xc6: {  	s30 =	sld [smem:$0x0];
	_ =	sdelay $0x2  }
0xc7: {  	s31 =	sshll.u32 s1, $0xD;
	s1 =	sshrl.u32 s1, $0x2  }
0xc8: {  	s4 =	sand.u32 $0x4000, s31;
	s1 =	sadd.s32 s1, s30  }
0xc9: {  	s0 =	sor.u32 s4, s0;
	s1 =	sshll.u32 s1, $0x11  }
0xca: {  	s0 =	sor.u32 s1, s0  }
0xcb: {  	s0 =	sadd.s32 $0x8F2B, s0  }
0xcc: {  	[sflag:s0] =	ssyncadd.remote.s32 $0x1  }
0xcd: {  	_ =	sfence.sel $0xFFFF  }
0xce: {  	[dreg:$0x0] =	wrdreg $0xFFFFFFFF;
	(pc) =	sbr.abs _section_cstart, $3  }
0xcf: {  	[dreg:$0x1] =	wrdreg $0xFFFFFFFF  }
0xd0: {  	_ =	task.clear_ibuf [dreg:s22], $0x2FFFF;
	_ =	strace $0x9FFFFFFF  }
0xd1: {  	(tm) =	ssettm $0x7FFFFFFF  }
tec
execute0_lowered:
.L_overlay_start_1:
0x0: {  	(tag) =	ssettag $0x1  }
0x1: {  	s1 =	srdreg.scid  }
0x2: {  	s3 =	rddreg [dreg:$0x0];
	s0 =	stileid.u32;
	s11 =	sand.u32 $0x1, s1  }
0x3: {  	s12 =	rddreg [dreg:$0x1];
	s4 =	sshll.u32 s0, $0x8;
	s5 =	sshll.u32 s11, $0x7  }
0x4: {  	s2 =	simm.s32 $0x0;
	s1 =	rddreg [dreg:$0x2];
	s13 =	sor.u32 s5, s4  }
0x5: {  	[smem:$0x7FF] =	sst s2;
	s14 =	sshrl.u32 s13, $0x3  }
0x6: {  	_ =	strace $0x8000004A;
	s4 =	sadd.s32 s3, s14;
	s3 =	simm.s32 $0x3  }
0x7: {  	[tilespmem:s2], [sflag:$0x3] =	stream.linear.gather [hbm4b:s4+s2], $0x80, $0x38;
	[tilespmem:$0x2100] =	vst v63  }
0x8: {  	_ =	swait.ge [sflag:s3], $0x80  }
0x9: {  	s6 =	simm.s32 $0x80;
	[sflag:s3] =	ssyncset.done $0x0  }
0xa: {  	s7 =	simm.s32 $0x2080;
	s5 =	sadd.s32 $0x7C8E00, s12;
	[sflag:s3] =	ssyncadd.s32 $0xFFFFFF80  }
0xb: {  	[tilespmem:s7], [sflag:$0x2] =	stream.indirect.gather [hbm4b:s5+s6], $0x1, s2, s6, $0xb8;
	[tilespmem:$0x2100] =	vst v63  }
0xc: {  	s9 =	simm.s32 $0x1;
	s8 =	sadd.s32 $0x27C00, s12  }
0xd: {  	[tilespmem:s6], [sflag:$0x1] =	stream.indirect.gather [hbm4b:s8+s6], $0x40, s2, s6, $0xb8;
	[tilespmem:$0x2100] =	vst v63  }
0xe: {  	_ =	swait.ge [sflag:s9], $0x2000  }
0xf: {  	s10 =	simm.s32 $0x2;
	[sflag:s9] =	ssyncset.done $0x0  }
0x10: {  	s15 =	ssub.s32 $0x2, s11;
	s13 =	sshll.u32 s13, $0x3;
	[sflag:s9] =	ssyncadd.s32 $0xFFFFE000  }
0x11: {  	s31 =	sshrl.u32 s15, $0x1;
	s13 =	sadd.s32 s13, s12;
	_ =	swait.ge [sflag:s10], $0x80  }
0x12: {  	s11 =	sadd.s32 $0x7E7800, s13;
	s13 =	ssub.s32 s15, s31;
	[sflag:s10] =	ssyncset.done $0x0  }
0x13: {  	s13 =	smax.u32 s13, $0x1;
	[sflag:s10] =	ssyncadd.s32 $0xFFFFFF80  }
0x14: {  	[hbm4b:s11+s2] =	stream.linear.scatter [tilespmem:s6], [sflag:$0x3], $0x2000, $0x38;
	[tilespmem:$0x2100] =	vst v63  }
0x15: {  	p0 =	sne.s32 s13, $0x1;
	_ =	swait.ge [sflag:s3], $0x2000  }
.Ltmp0:
0x16: {  	s12 =	sadd.s32 s14, s12;
	[sflag:s3] =	ssyncset.done $0x0;
	(pc) =	sbr.rel @!p0 .LBB2_2-.Ltmp0, $4  }
0x17: {  	s12 =	sadd.s32 $0x7EF800, s12;
	[sflag:s3] =	ssyncadd.s32 $0xFFFFE000  }
0x18: {  	[hbm4b:s12+s2] =	stream.linear.scatter [tilespmem:s7], [sflag:$0x3], $0x80, $0x38;
	[tilespmem:$0x2100] =	vst v63  }
0x19: {  	_ =	swait.ge [sflag:s3], $0x80  }
0x1a: {  	s13 =	sadd.s32 $0xFFFFFFFF, s13;
	[sflag:s3] =	ssyncset.done $0x0  }
.LBB2_1:
0x1b: {  	p0 =	sne.s32 s13, $0x1;
	s13 =	sadd.s32 $0xFFFFFFFF, s13;
	[sflag:s3] =	ssyncadd.s32 $0xFFFFFF80  }
0x1c: {  	[tilespmem:s2], [sflag:$0x3] =	stream.linear.gather [hbm4b:s4+s2], $0x80, $0x38;
	[tilespmem:$0x2100] =	vst v63  }
0x1d: {  	_ =	swait.ge [sflag:s3], $0x80  }
0x1e: {  	[sflag:s3] =	ssyncset.done $0x0  }
0x1f: {  	[sflag:s3] =	ssyncadd.s32 $0xFFFFFF80  }
0x20: {  	[tilespmem:s7], [sflag:$0x2] =	stream.indirect.gather [hbm4b:s5+s6], $0x1, s2, s6, $0xb8;
	[tilespmem:$0x2100] =	vst v63  }
0x21: {  	_ = 	snop  }
0x22: {  	[tilespmem:s6], [sflag:$0x1] =	stream.indirect.gather [hbm4b:s8+s6], $0x40, s2, s6, $0xb8;
	[tilespmem:$0x2100] =	vst v63  }
0x23: {  	_ =	swait.ge [sflag:s9], $0x2000  }
0x24: {  	[sflag:s9] =	ssyncset.done $0x0  }
0x25: {  	[sflag:s9] =	ssyncadd.s32 $0xFFFFE000  }
0x26: {  	_ =	swait.ge [sflag:s10], $0x80  }
0x27: {  	[sflag:s10] =	ssyncset.done $0x0  }
0x28: {  	[sflag:s10] =	ssyncadd.s32 $0xFFFFFF80  }
0x29: {  	[hbm4b:s11+s2] =	stream.linear.scatter [tilespmem:s6], [sflag:$0x3], $0x2000, $0x38;
	[tilespmem:$0x2100] =	vst v63  }
0x2a: {  	_ =	swait.ge [sflag:s3], $0x2000  }
.Ltmp1:
0x2b: {  	[sflag:s3] =	ssyncset.done $0x0;
	(pc) =	sbr.rel @p0 .LBB2_1-.Ltmp1, $4  }
0x2c: {  	[sflag:s3] =	ssyncadd.s32 $0xFFFFE000  }
0x2d: {  	[hbm4b:s12+s2] =	stream.linear.scatter [tilespmem:s7], [sflag:$0x3], $0x80, $0x38;
	[tilespmem:$0x2100] =	vst v63  }
0x2e: {  	_ =	swait.ge [sflag:s3], $0x80  }
0x2f: {  	[sflag:s3] =	ssyncset.done $0x0  }
.LBB2_2:
0x30: {  	[sflag:s3] =	ssyncadd.s32 $0xFFFFFF80  }
0x31: {  	_ =	sfence.sel $0x180000  }
0x32: {  	[bflag:$0x0] =	sbarrier.arrive $0xFFFF  }
0x33: {  	p0 =	sne.s32 s0, $0x0;
	_ =	strace $0x9000004A  }
0x34: {  	s0 =	sadd.s32 @!p0 $0x100000, s1;
	[bflag:$0x2] =	sbarrier.arrive $0xFFFF  }
0x35: {  	[sflag:s0] =	ssyncadd.tile.s32 @!p0 $0x1;
	_ =	shalt  }
.Lfunc_end2:
_tile_overlayer_lowered:
.L_overlay_start_2:
0x36: {  	(tag) =	ssettag $0x2  }
0x37: {  	s0 =	rddreg [dreg:$0x0];
	s2 =	stileid.u32  }
0x38: {  	s1 =	rddreg [dreg:$0x1];
	p0 =	sne.s32 s2, $0x0  }
0x39: {  	s3 =	rddreg [dreg:$0x2];
	[bflag:$0x3] =	sbarrier.arrive $0xFFFF;
	s2 =	simm.s32 @!p0 $0x1C03  }
0x3a: {  	[timem:s3], [sflag:s2] =	dma.local @!p0 [hbm:s0], s1  }
0x3b: {  	s0 =	simm.s32 @!p0 $0x3  }
0x3c: {  	_ =	swait.ge @!p0 [sflag:s0], s1  }
0x3d: {  	s1 =	ssub.s32 @!p0 $0x0, s1;
	[sflag:s0] =	ssyncset.done @!p0 $0x0  }
0x3e: {  	[sflag:s0] =	ssyncadd.s32 @!p0 s1  }
0x3f: {  	[bflag:$0x3] =	sbarrier.arrive $0xFFFF  }
0x40: {  	_ =	shalt  }

</sc_bundles>
